<compile_context>
chip_gen: v7x
topology: tpu7x:2x2x1
jax: 0.10.2.dev20260603
libtpu: 0.0.44.dev20260713+nightly
codegen_flags: <defaults>
</compile_context>

<pallas_src>
import functools

import jax
import jax.numpy as jnp
from jax import lax
from jax.experimental import pallas as pl
from jax.experimental.pallas import tpu as pltpu
from jax.experimental.pallas import tpu_sc as plsc

_NS = plsc.get_sparse_core_info().num_subcores


def _body(seq_len, contact_hbm, desc_hbm, out_hbm,
          desc_v, d0_v, d1_v, d2_v, d3_v, d4_v, d5_v, d6_v, d7_v,
          out_v, sem):
    w = lax.axis_index("s")
    ba = 2 * w
    pltpu.sync_copy(desc_hbm.at[pl.ds(32 * w, 32)], desc_v)
    va = desc_v[pl.ds(0, 16)]
    vb = desc_v[pl.ds(16, 16)]
    lanes = lax.iota(jnp.int32, 16)
    low = lanes < 8
    t = jnp.where(low, va, lax.rev(vb, (0,)))
    row = jnp.where(low, ba, ba + 1) * seq_len + t
    nrows = 32 * seq_len
    row = jnp.minimum(jnp.maximum(row, 0), nrows - 1)
    base = row * 8
    dsts = [d0_v, d1_v, d2_v, d3_v, d4_v, d5_v, d6_v, d7_v]
    copies = [pltpu.async_copy(contact_hbm.at[base + g], dsts[g], sem)
              for g in range(8)]
    for c in copies:
        c.wait()
    rowsum = (((d0_v[...] + d1_v[...]) + (d2_v[...] + d3_v[...]))
              + ((d4_v[...] + d5_v[...]) + (d6_v[...] + d7_v[...])))
    per_frame = jnp.maximum(jnp.float32(0.5) - rowsum, jnp.float32(0.0))

    cs_a = va[8]
    zero = jnp.float32(0.0)
    one = jnp.float32(1.0)
    tot_a = zero
    n_a = zero
    tot_b = zero
    n_b = zero
    for j in range(8):
        ok_a = t[j] >= cs_a
        tot_a = tot_a + jnp.where(ok_a, per_frame[j], zero)
        n_a = n_a + jnp.where(ok_a, one, zero)
        ok_b = t[8 + j] >= cs_a
        tot_b = tot_b + jnp.where(ok_b, per_frame[8 + j], zero)
        n_b = n_b + jnp.where(ok_b, one, zero)
    num_vec = jnp.where(low, tot_a, tot_b)
    den_vec = jnp.where(low, jnp.maximum(n_a, one), jnp.maximum(n_b, one))
    mean_vec = num_vec / den_vec
    nz_vec = jnp.where(low, jnp.broadcast_to(n_a, (16,)),
                       jnp.broadcast_to(n_b, (16,)))
    loss_vec = jnp.where(nz_vec > 0.0, mean_vec, jnp.zeros((16,), jnp.float32))
    la = jnp.broadcast_to(loss_vec[0], (16,))
    lb = jnp.broadcast_to(loss_vec[8], (16,))
    out_v[pl.ds(0, 16)] = la
    out_v[pl.ds(16, 16)] = lb
    pltpu.sync_copy(out_v, out_hbm.at[pl.ds(32 * w, 32)])


def kernel(trans, poses, obj_verts, contact, target_frames, cur_start_frame):
    bs, seq_len, ncontact = contact.shape
    assert ncontact == 8 and bs == 2 * _NS
    contact_flat = contact.reshape(bs * seq_len * ncontact)
    cs = jnp.asarray(cur_start_frame, jnp.int32)
    desc = jnp.concatenate(
        [target_frames.astype(jnp.int32),
         jnp.broadcast_to(cs, (bs, 8))], axis=1).reshape(bs * 16)

    mesh = plsc.VectorSubcoreMesh(
        core_axis_name="c", subcore_axis_name="s", num_cores=1)
    run = pl.kernel(
        functools.partial(_body, seq_len),
        mesh=mesh,
        out_type=jax.ShapeDtypeStruct((bs * 16,), jnp.float32),
        scratch_types=(
            [pltpu.VMEM((32,), jnp.int32)]
            + [pltpu.VMEM((16,), jnp.float32)] * 8
            + [
                pltpu.VMEM((32,), jnp.float32),
                pltpu.SemaphoreType.DMA,
            ]
        ),
    )
    out = run(contact_flat, desc)
    return out.reshape(bs, 16)[:, 0]

# --- scband reference (transcript-rebuilt; emitter-appended) ---
"""Pipeline reference for scband-enforce-any-contact-loss-33715493273831 (READ-ONLY COPY).

The authoritative reference and input builder live on the scoring server;
editing this copy changes nothing except your own understanding.
"""

import jax, jax.numpy as jnp
import numpy as np


def setup_inputs(seed: int = 0) -> dict:
    key = jax.random.key(seed)
    k1, k2, k3, k4 = jax.random.split(key, 4)
    bs, seq_len = 32, 600
    trans = jax.random.normal(k1, (bs, seq_len, 3), dtype=jnp.float32)
    poses = jax.random.normal(k2, (bs, seq_len, 3), dtype=jnp.float32)
    obj_verts = jax.random.normal(k3, (bs, 2048, 3), dtype=jnp.float32)
    # contact: per-frame per-joint contact probabilities extracted from smpldata_lst
    contact = jax.random.uniform(k4, (bs, seq_len, 8), dtype=jnp.float32)
    target_frames = jnp.tile(
        jnp.array([75, 150, 225, 300, 375, 450, 525, 599], dtype=jnp.int32), (bs, 1)
    )
    return {
        "trans": trans,
        "poses": poses,
        "obj_verts": obj_verts,
        "contact": contact,
        "target_frames": target_frames,
        "cur_start_frame": 100,
    }


def reference(trans, poses, obj_verts, contact, target_frames, cur_start_frame):
    bs, seq_len, _ = trans.shape
    frames = jnp.arange(seq_len, dtype=jnp.int32)
    # torch.isin(frames, target_frames[b]) vectorized over batch
    isin = (frames[None, :, None] == target_frames[:, None, :]).any(axis=-1)  # (bs, seq_len)
    mask = (frames[None, :] >= cur_start_frame) & isin  # (bs, seq_len)
    # per-frame term: relu(-contact.sum(dim=1) + 0.5)  ('rule' in source == relu)
    per_frame = jax.nn.relu(-contact.sum(axis=-1) + 0.5)  # (bs, seq_len)
    maskf = mask.astype(contact.dtype)
    denom = maskf.sum(axis=-1)  # (bs,)
    masked_mean = (per_frame * maskf).sum(axis=-1) / jnp.maximum(denom, 1.0)
    loss = jnp.where(denom > 0, masked_mean, jnp.zeros_like(masked_mean))  # (bs,)
    return loss

if __name__ == "__main__":
    import jax
    _d = setup_inputs()
    print(jax.jit(kernel)(*tuple(_d.values())))

</pallas_src>

<mosaic_0001>
#map = affine_map<(d0, d1) -> (0)>
module attributes {stable_mosaic.version = 14 : i64} {
  func.func @_body(%arg0: i32, %arg1: i32, %arg2: memref<153600xf32, #tpu.memory_space<hbm>>, %arg3: memref<512xi32, #tpu.memory_space<hbm>>, %arg4: memref<512xf32, #tpu.memory_space<hbm>>, %arg5: memref<32xi32, #tpu.memory_space<vmem>>, %arg6: memref<16xf32, #tpu.memory_space<vmem>>, %arg7: memref<16xf32, #tpu.memory_space<vmem>>, %arg8: memref<16xf32, #tpu.memory_space<vmem>>, %arg9: memref<16xf32, #tpu.memory_space<vmem>>, %arg10: memref<16xf32, #tpu.memory_space<vmem>>, %arg11: memref<16xf32, #tpu.memory_space<vmem>>, %arg12: memref<16xf32, #tpu.memory_space<vmem>>, %arg13: memref<16xf32, #tpu.memory_space<vmem>>, %arg14: memref<32xf32, #tpu.memory_space<vmem>>, %arg15: memref<!tpu.dma_semaphore, #tpu.memory_space<semaphore_mem>>) attributes {dimension_semantics = [#tpu.dimension_semantics<core_parallel>, #tpu.dimension_semantics<subcore_parallel>], iteration_bounds = array<i64: 1, 16>, scalar_prefetch = 0 : i64, scratch_operands = 11 : i64, tpu.core_type = #tpu.core_type<sc_vector_subcore>, window_params = [{transform_indices = #map}, {transform_indices = #map}, {transform_indices = #map}]} {
    %mul3A = arith.constant 2 : i32
    %mul3A_0 = arith.muli %mul3A, %arg1 : i32
    %mul3A_1 = arith.constant 32 : i32
    %mul3A_2 = arith.muli %mul3A_1, %arg1 : i32
    "tpu.region"() ({
      %run_scoped3A = tpu.sem_alloc : memref<!tpu.dma_semaphore, #tpu.memory_space<semaphore_mem>>
      %dma_start3A_345 = tpu.memref_slice %arg3[%mul3A_2] : memref<512xi32, #tpu.memory_space<hbm>> -> memref<32xi32, #tpu.memory_space<hbm>>
      %dma_start3A_346 = tpu.memref_slice %arg3[%mul3A_2] : memref<512xi32, #tpu.memory_space<hbm>> -> memref<32xi32, #tpu.memory_space<hbm>>
      tpu.enqueue_dma source(%dma_start3A_346 : memref<32xi32, #tpu.memory_space<hbm>>) target(%arg5 : memref<32xi32, #tpu.memory_space<vmem>>) target_semaphore(%run_scoped3A : memref<!tpu.dma_semaphore, #tpu.memory_space<semaphore_mem>>)
      %dma_wait3A_347 = tpu.memref_slice %arg3[%mul3A_2] : memref<512xi32, #tpu.memory_space<hbm>> -> memref<32xi32, #tpu.memory_space<hbm>>
      %dma_wait3A_348 = tpu.memref_slice %arg3[%mul3A_2] : memref<512xi32, #tpu.memory_space<hbm>> -> memref<32xi32, #tpu.memory_space<hbm>>
      tpu.wait_dma2 semaphore(%run_scoped3A : memref<!tpu.dma_semaphore, #tpu.memory_space<semaphore_mem>>) src(%dma_wait3A_348 : memref<32xi32, #tpu.memory_space<hbm>>) dst(%arg5 : memref<32xi32, #tpu.memory_space<vmem>>)
      tpu.yield
    }) : () -> ()
    %get3A = arith.constant 0 : index
    %get3A_3 = tpu.vector_load %arg5[%get3A] {strides = array<i32>} : memref<32xi32, #tpu.memory_space<vmem>>, vector<16xi32>,
    %get3A_4 = vector.shape_cast %get3A_3 : vector<16xi32> to vector<16xi32>
    %get3A_5 = arith.constant 16 : index
    %get3A_6 = tpu.vector_load %arg5[%get3A_5] {strides = array<i32>} : memref<32xi32, #tpu.memory_space<vmem>>, vector<16xi32>,
    %get3A_7 = vector.shape_cast %get3A_6 : vector<16xi32> to vector<16xi32>
    %iota3A = tpu.iota {dimensions = array<i32: 0>} : vector<16xi32>
    %lt3A = arith.constant 8 : i32
    %lt3A_8 = vector.broadcast %lt3A : i32 to vector<16xi32>
    %lt3A_9 = arith.cmpi slt, %iota3A, %lt3A_8 : vector<16xi32>
    %rev3A = arith.constant 15 : i32
    %rev3A_10 = vector.broadcast %rev3A : i32 to vector<16xi32>
    %rev3A_11 = tpu.iota {dimensions = array<i32: 0>} : vector<16xi32>
    %rev3A_12 = arith.subi %rev3A_10, %rev3A_11 : vector<16xi32>
    %rev3A_13 = tpu.dynamic_gather %get3A_7[%rev3A_12] in [0] : vector<16xi32>, vector<16xi32> -> vector<16xi32>
    %select_n3A = arith.select %lt3A_9, %get3A_4, %rev3A_13 : vector<16xi1>, vector<16xi32>
    %add3A = arith.constant 1 : i32
    %add3A_14 = arith.addi %mul3A_0, %add3A : i32
    %broadcast_in_dim3A = vector.broadcast %mul3A_0 : i32 to vector<16xi32>
    %broadcast_in_dim3A_15 = vector.broadcast %add3A_14 : i32 to vector<16xi32>
    %select_n3A_16 = arith.select %lt3A_9, %broadcast_in_dim3A, %broadcast_in_dim3A_15 : vector<16xi1>, vector<16xi32>
    %mul3A_17 = arith.constant 600 : i32
    %mul3A_18 = vector.broadcast %mul3A_17 : i32 to vector<16xi32>
    %mul3A_19 = arith.muli %select_n3A_16, %mul3A_18 : vector<16xi32>
    %add3A_20 = arith.addi %mul3A_19, %select_n3A : vector<16xi32>
    %max3A = arith.constant 0 : i32
    %max3A_21 = vector.broadcast %max3A : i32 to vector<16xi32>
    %max3A_22 = arith.maxsi %add3A_20, %max3A_21 : vector<16xi32>
    %min3A = arith.constant 19199 : i32
    %min3A_23 = vector.broadcast %min3A : i32 to vector<16xi32>
    %min3A_24 = arith.minsi %max3A_22, %min3A_23 : vector<16xi32>
    %mul3A_25 = arith.constant 8 : i32
    %mul3A_26 = vector.broadcast %mul3A_25 : i32 to vector<16xi32>
    %mul3A_27 = arith.muli %min3A_24, %mul3A_26 : vector<16xi32>
    %add3A_28 = arith.constant 0 : i32
    %add3A_29 = vector.broadcast %add3A_28 : i32 to vector<16xi32>
    %add3A_30 = arith.addi %mul3A_27, %add3A_29 : vector<16xi32>
    %dma_start3A = arith.constant 0 : i32
    %dma_start3A_31 = tpu.memref_slice %arg2[%dma_start3A] : memref<153600xf32, #tpu.memory_space<hbm>> -> memref<153600xf32, #tpu.memory_space<hbm>>
    tpu.enqueue_indirect_dma source(%dma_start3A_31 : memref<153600xf32, #tpu.memory_space<hbm>>) target(%arg6 : memref<16xf32, #tpu.memory_space<vmem>>) offsets(%add3A_30 : vector<16xi32>) semaphore(%arg15 : memref<!tpu.dma_semaphore, #tpu.memory_space<semaphore_mem>>)
    %add3A_32 = arith.constant 1 : i32
    %add3A_33 = vector.broadcast %add3A_32 : i32 to vector<16xi32>
    %add3A_34 = arith.addi %mul3A_27, %add3A_33 : vector<16xi32>
    %dma_start3A_35 = arith.constant 0 : i32
    %dma_start3A_36 = tpu.memref_slice %arg2[%dma_start3A_35] : memref<153600xf32, #tpu.memory_space<hbm>> -> memref<153600xf32, #tpu.memory_space<hbm>>
    tpu.enqueue_indirect_dma source(%dma_start3A_36 : memref<153600xf32, #tpu.memory_space<hbm>>) target(%arg7 : memref<16xf32, #tpu.memory_space<vmem>>) offsets(%add3A_34 : vector<16xi32>) semaphore(%arg15 : memref<!tpu.dma_semaphore, #tpu.memory_space<semaphore_mem>>)
    %add3A_37 = arith.constant 2 : i32
    %add3A_38 = vector.broadcast %add3A_37 : i32 to vector<16xi32>
    %add3A_39 = arith.addi %mul3A_27, %add3A_38 : vector<16xi32>
    %dma_start3A_40 = arith.constant 0 : i32
    %dma_start3A_41 = tpu.memref_slice %arg2[%dma_start3A_40] : memref<153600xf32, #tpu.memory_space<hbm>> -> memref<153600xf32, #tpu.memory_space<hbm>>
    tpu.enqueue_indirect_dma source(%dma_start3A_41 : memref<153600xf32, #tpu.memory_space<hbm>>) target(%arg8 : memref<16xf32, #tpu.memory_space<vmem>>) offsets(%add3A_39 : vector<16xi32>) semaphore(%arg15 : memref<!tpu.dma_semaphore, #tpu.memory_space<semaphore_mem>>)
    %add3A_42 = arith.constant 3 : i32
    %add3A_43 = vector.broadcast %add3A_42 : i32 to vector<16xi32>
    %add3A_44 = arith.addi %mul3A_27, %add3A_43 : vector<16xi32>
    %dma_start3A_45 = arith.constant 0 : i32
    %dma_start3A_46 = tpu.memref_slice %arg2[%dma_start3A_45] : memref<153600xf32, #tpu.memory_space<hbm>> -> memref<153600xf32, #tpu.memory_space<hbm>>
    tpu.enqueue_indirect_dma source(%dma_start3A_46 : memref<153600xf32, #tpu.memory_space<hbm>>) target(%arg9 : memref<16xf32, #tpu.memory_space<vmem>>) offsets(%add3A_44 : vector<16xi32>) semaphore(%arg15 : memref<!tpu.dma_semaphore, #tpu.memory_space<semaphore_mem>>)
    %add3A_47 = arith.constant 4 : i32
    %add3A_48 = vector.broadcast %add3A_47 : i32 to vector<16xi32>
    %add3A_49 = arith.addi %mul3A_27, %add3A_48 : vector<16xi32>
    %dma_start3A_50 = arith.constant 0 : i32
    %dma_start3A_51 = tpu.memref_slice %arg2[%dma_start3A_50] : memref<153600xf32, #tpu.memory_space<hbm>> -> memref<153600xf32, #tpu.memory_space<hbm>>
    tpu.enqueue_indirect_dma source(%dma_start3A_51 : memref<153600xf32, #tpu.memory_space<hbm>>) target(%arg10 : memref<16xf32, #tpu.memory_space<vmem>>) offsets(%add3A_49 : vector<16xi32>) semaphore(%arg15 : memref<!tpu.dma_semaphore, #tpu.memory_space<semaphore_mem>>)
    %add3A_52 = arith.constant 5 : i32
    %add3A_53 = vector.broadcast %add3A_52 : i32 to vector<16xi32>
    %add3A_54 = arith.addi %mul3A_27, %add3A_53 : vector<16xi32>
    %dma_start3A_55 = arith.constant 0 : i32
    %dma_start3A_56 = tpu.memref_slice %arg2[%dma_start3A_55] : memref<153600xf32, #tpu.memory_space<hbm>> -> memref<153600xf32, #tpu.memory_space<hbm>>
    tpu.enqueue_indirect_dma source(%dma_start3A_56 : memref<153600xf32, #tpu.memory_space<hbm>>) target(%arg11 : memref<16xf32, #tpu.memory_space<vmem>>) offsets(%add3A_54 : vector<16xi32>) semaphore(%arg15 : memref<!tpu.dma_semaphore, #tpu.memory_space<semaphore_mem>>)
    %add3A_57 = arith.constant 6 : i32
    %add3A_58 = vector.broadcast %add3A_57 : i32 to vector<16xi32>
    %add3A_59 = arith.addi %mul3A_27, %add3A_58 : vector<16xi32>
    %dma_start3A_60 = arith.constant 0 : i32
    %dma_start3A_61 = tpu.memref_slice %arg2[%dma_start3A_60] : memref<153600xf32, #tpu.memory_space<hbm>> -> memref<153600xf32, #tpu.memory_space<hbm>>
    tpu.enqueue_indirect_dma source(%dma_start3A_61 : memref<153600xf32, #tpu.memory_space<hbm>>) target(%arg12 : memref<16xf32, #tpu.memory_space<vmem>>) offsets(%add3A_59 : vector<16xi32>) semaphore(%arg15 : memref<!tpu.dma_semaphore, #tpu.memory_space<semaphore_mem>>)
    %add3A_62 = arith.constant 7 : i32
    %add3A_63 = vector.broadcast %add3A_62 : i32 to vector<16xi32>
    %add3A_64 = arith.addi %mul3A_27, %add3A_63 : vector<16xi32>
    %dma_start3A_65 = arith.constant 0 : i32
    %dma_start3A_66 = tpu.memref_slice %arg2[%dma_start3A_65] : memref<153600xf32, #tpu.memory_space<hbm>> -> memref<153600xf32, #tpu.memory_space<hbm>>
    tpu.enqueue_indirect_dma source(%dma_start3A_66 : memref<153600xf32, #tpu.memory_space<hbm>>) target(%arg13 : memref<16xf32, #tpu.memory_space<vmem>>) offsets(%add3A_64 : vector<16xi32>) semaphore(%arg15 : memref<!tpu.dma_semaphore, #tpu.memory_space<semaphore_mem>>)
    %dma_wait3A = arith.constant 0 : i32
    %dma_wait3A_67 = tpu.memref_slice %arg2[%dma_wait3A] : memref<153600xf32, #tpu.memory_space<hbm>> -> memref<153600xf32, #tpu.memory_space<hbm>>
    tpu.wait_indirect_dma semaphore(%arg15 : memref<!tpu.dma_semaphore, #tpu.memory_space<semaphore_mem>>) src(%dma_wait3A_67 : memref<153600xf32, #tpu.memory_space<hbm>>) dst(%arg6 : memref<16xf32, #tpu.memory_space<vmem>>)
    %dma_wait3A_68 = arith.constant 0 : i32
    %dma_wait3A_69 = tpu.memref_slice %arg2[%dma_wait3A_68] : memref<153600xf32, #tpu.memory_space<hbm>> -> memref<153600xf32, #tpu.memory_space<hbm>>
    tpu.wait_indirect_dma semaphore(%arg15 : memref<!tpu.dma_semaphore, #tpu.memory_space<semaphore_mem>>) src(%dma_wait3A_69 : memref<153600xf32, #tpu.memory_space<hbm>>) dst(%arg7 : memref<16xf32, #tpu.memory_space<vmem>>)
    %dma_wait3A_70 = arith.constant 0 : i32
    %dma_wait3A_71 = tpu.memref_slice %arg2[%dma_wait3A_70] : memref<153600xf32, #tpu.memory_space<hbm>> -> memref<153600xf32, #tpu.memory_space<hbm>>
    tpu.wait_indirect_dma semaphore(%arg15 : memref<!tpu.dma_semaphore, #tpu.memory_space<semaphore_mem>>) src(%dma_wait3A_71 : memref<153600xf32, #tpu.memory_space<hbm>>) dst(%arg8 : memref<16xf32, #tpu.memory_space<vmem>>)
    %dma_wait3A_72 = arith.constant 0 : i32
    %dma_wait3A_73 = tpu.memref_slice %arg2[%dma_wait3A_72] : memref<153600xf32, #tpu.memory_space<hbm>> -> memref<153600xf32, #tpu.memory_space<hbm>>
    tpu.wait_indirect_dma semaphore(%arg15 : memref<!tpu.dma_semaphore, #tpu.memory_space<semaphore_mem>>) src(%dma_wait3A_73 : memref<153600xf32, #tpu.memory_space<hbm>>) dst(%arg9 : memref<16xf32, #tpu.memory_space<vmem>>)
    %dma_wait3A_74 = arith.constant 0 : i32
    %dma_wait3A_75 = tpu.memref_slice %arg2[%dma_wait3A_74] : memref<153600xf32, #tpu.memory_space<hbm>> -> memref<153600xf32, #tpu.memory_space<hbm>>
    tpu.wait_indirect_dma semaphore(%arg15 : memref<!tpu.dma_semaphore, #tpu.memory_space<semaphore_mem>>) src(%dma_wait3A_75 : memref<153600xf32, #tpu.memory_space<hbm>>) dst(%arg10 : memref<16xf32, #tpu.memory_space<vmem>>)
    %dma_wait3A_76 = arith.constant 0 : i32
    %dma_wait3A_77 = tpu.memref_slice %arg2[%dma_wait3A_76] : memref<153600xf32, #tpu.memory_space<hbm>> -> memref<153600xf32, #tpu.memory_space<hbm>>
    tpu.wait_indirect_dma semaphore(%arg15 : memref<!tpu.dma_semaphore, #tpu.memory_space<semaphore_mem>>) src(%dma_wait3A_77 : memref<153600xf32, #tpu.memory_space<hbm>>) dst(%arg11 : memref<16xf32, #tpu.memory_space<vmem>>)
    %dma_wait3A_78 = arith.constant 0 : i32
    %dma_wait3A_79 = tpu.memref_slice %arg2[%dma_wait3A_78] : memref<153600xf32, #tpu.memory_space<hbm>> -> memref<153600xf32, #tpu.memory_space<hbm>>
    tpu.wait_indirect_dma semaphore(%arg15 : memref<!tpu.dma_semaphore, #tpu.memory_space<semaphore_mem>>) src(%dma_wait3A_79 : memref<153600xf32, #tpu.memory_space<hbm>>) dst(%arg12 : memref<16xf32, #tpu.memory_space<vmem>>)
    %dma_wait3A_80 = arith.constant 0 : i32
    %dma_wait3A_81 = tpu.memref_slice %arg2[%dma_wait3A_80] : memref<153600xf32, #tpu.memory_space<hbm>> -> memref<153600xf32, #tpu.memory_space<hbm>>
    tpu.wait_indirect_dma semaphore(%arg15 : memref<!tpu.dma_semaphore, #tpu.memory_space<semaphore_mem>>) src(%dma_wait3A_81 : memref<153600xf32, #tpu.memory_space<hbm>>) dst(%arg13 : memref<16xf32, #tpu.memory_space<vmem>>)
    %get3A_82 = arith.constant 0 : index
    %get3A_83 = tpu.vector_load %arg6[%get3A_82] {strides = array<i32>} : memref<16xf32, #tpu.memory_space<vmem>>, vector<16xf32>,
    %get3A_84 = vector.shape_cast %get3A_83 : vector<16xf32> to vector<16xf32>
    %get3A_85 = arith.constant 0 : index
    %get3A_86 = tpu.vector_load %arg7[%get3A_85] {strides = array<i32>} : memref<16xf32, #tpu.memory_space<vmem>>, vector<16xf32>,
    %get3A_87 = vector.shape_cast %get3A_86 : vector<16xf32> to vector<16xf32>
    %add3A_88 = arith.addf %get3A_84, %get3A_87 : vector<16xf32>
    %get3A_89 = arith.constant 0 : index
    %get3A_90 = tpu.vector_load %arg8[%get3A_89] {strides = array<i32>} : memref<16xf32, #tpu.memory_space<vmem>>, vector<16xf32>,
    %get3A_91 = vector.shape_cast %get3A_90 : vector<16xf32> to vector<16xf32>
    %get3A_92 = arith.constant 0 : index
    %get3A_93 = tpu.vector_load %arg9[%get3A_92] {strides = array<i32>} : memref<16xf32, #tpu.memory_space<vmem>>, vector<16xf32>,
    %get3A_94 = vector.shape_cast %get3A_93 : vector<16xf32> to vector<16xf32>
    %add3A_95 = arith.addf %get3A_91, %get3A_94 : vector<16xf32>
    %add3A_96 = arith.addf %add3A_88, %add3A_95 : vector<16xf32>
    %get3A_97 = arith.constant 0 : index
    %get3A_98 = tpu.vector_load %arg10[%get3A_97] {strides = array<i32>} : memref<16xf32, #tpu.memory_space<vmem>>, vector<16xf32>,
    %get3A_99 = vector.shape_cast %get3A_98 : vector<16xf32> to vector<16xf32>
    %get3A_100 = arith.constant 0 : index
    %get3A_101 = tpu.vector_load %arg11[%get3A_100] {strides = array<i32>} : memref<16xf32, #tpu.memory_space<vmem>>, vector<16xf32>,
    %get3A_102 = vector.shape_cast %get3A_101 : vector<16xf32> to vector<16xf32>
    %add3A_103 = arith.addf %get3A_99, %get3A_102 : vector<16xf32>
    %get3A_104 = arith.constant 0 : index
    %get3A_105 = tpu.vector_load %arg12[%get3A_104] {strides = array<i32>} : memref<16xf32, #tpu.memory_space<vmem>>, vector<16xf32>,
    %get3A_106 = vector.shape_cast %get3A_105 : vector<16xf32> to vector<16xf32>
    %get3A_107 = arith.constant 0 : index
    %get3A_108 = tpu.vector_load %arg13[%get3A_107] {strides = array<i32>} : memref<16xf32, #tpu.memory_space<vmem>>, vector<16xf32>,
    %get3A_109 = vector.shape_cast %get3A_108 : vector<16xf32> to vector<16xf32>
    %add3A_110 = arith.addf %get3A_106, %get3A_109 : vector<16xf32>
    %add3A_111 = arith.addf %add3A_103, %add3A_110 : vector<16xf32>
    %add3A_112 = arith.addf %add3A_96, %add3A_111 : vector<16xf32>
    %sub3A = arith.constant 5.000000e-01 : f32
    %sub3A_113 = vector.broadcast %sub3A : f32 to vector<16xf32>
    %sub3A_114 = arith.subf %sub3A_113, %add3A_112 : vector<16xf32>
    %max3A_115 = arith.constant 0.000000e+00 : f32
    %max3A_116 = vector.broadcast %max3A_115 : f32 to vector<16xf32>
    %max3A_117 = arith.maximumf %sub3A_114, %max3A_116 : vector<16xf32>
    %slice3A = vector.extract_strided_slice %get3A_4 {offsets = [8], sizes = [1], strides = [1]} : vector<16xi32> to vector<1xi32>
    %squeeze3A = vector.extract %slice3A[0] : i32 from vector<1xi32>
    %slice3A_118 = vector.extract_strided_slice %select_n3A {offsets = [0], sizes = [1], strides = [1]} : vector<16xi32> to vector<1xi32>
    %squeeze3A_119 = vector.extract %slice3A_118[0] : i32 from vector<1xi32>
    %ge3A = arith.cmpi sge, %squeeze3A_119, %squeeze3A : i32
    %slice3A_120 = vector.extract_strided_slice %max3A_117 {offsets = [0], sizes = [1], strides = [1]} : vector<16xf32> to vector<1xf32>
    %squeeze3A_121 = vector.extract %slice3A_120[0] : f32 from vector<1xf32>
    %jit3A = arith.constant 0.000000e+00 : f32
    %select_n3A_122 = arith.select %ge3A, %squeeze3A_121, %jit3A : f32
    %add3A_123 = arith.constant 0.000000e+00 : f32
    %add3A_124 = arith.addf %add3A_123, %select_n3A_122 : f32
    %jit3A_125 = arith.constant 1.000000e+00 : f32
    %jit3A_126 = arith.constant 0.000000e+00 : f32
    %select_n3A_127 = arith.select %ge3A, %jit3A_125, %jit3A_126 : f32
    %add3A_128 = arith.constant 0.000000e+00 : f32
    %add3A_129 = arith.addf %add3A_128, %select_n3A_127 : f32
    %slice3A_130 = vector.extract_strided_slice %select_n3A {offsets = [8], sizes = [1], strides = [1]} : vector<16xi32> to vector<1xi32>
    %squeeze3A_131 = vector.extract %slice3A_130[0] : i32 from vector<1xi32>
    %ge3A_132 = arith.cmpi sge, %squeeze3A_131, %squeeze3A : i32
    %slice3A_133 = vector.extract_strided_slice %max3A_117 {offsets = [8], sizes = [1], strides = [1]} : vector<16xf32> to vector<1xf32>
    %squeeze3A_134 = vector.extract %slice3A_133[0] : f32 from vector<1xf32>
    %jit3A_135 = arith.constant 0.000000e+00 : f32
    %select_n3A_136 = arith.select %ge3A_132, %squeeze3A_134, %jit3A_135 : f32
    %add3A_137 = arith.constant 0.000000e+00 : f32
    %add3A_138 = arith.addf %add3A_137, %select_n3A_136 : f32
    %jit3A_139 = arith.constant 1.000000e+00 : f32
    %jit3A_140 = arith.constant 0.000000e+00 : f32
    %select_n3A_141 = arith.select %ge3A_132, %jit3A_139, %jit3A_140 : f32
    %add3A_142 = arith.constant 0.000000e+00 : f32
    %add3A_143 = arith.addf %add3A_142, %select_n3A_141 : f32
    %slice3A_144 = vector.extract_strided_slice %select_n3A {offsets = [1], sizes = [1], strides = [1]} : vector<16xi32> to vector<1xi32>
    %squeeze3A_145 = vector.extract %slice3A_144[0] : i32 from vector<1xi32>
    %ge3A_146 = arith.cmpi sge, %squeeze3A_145, %squeeze3A : i32
    %slice3A_147 = vector.extract_strided_slice %max3A_117 {offsets = [1], sizes = [1], strides = [1]} : vector<16xf32> to vector<1xf32>
    %squeeze3A_148 = vector.extract %slice3A_147[0] : f32 from vector<1xf32>
    %jit3A_149 = arith.constant 0.000000e+00 : f32
    %select_n3A_150 = arith.select %ge3A_146, %squeeze3A_148, %jit3A_149 : f32
    %add3A_151 = arith.addf %add3A_124, %select_n3A_150 : f32
    %jit3A_152 = arith.constant 1.000000e+00 : f32
    %jit3A_153 = arith.constant 0.000000e+00 : f32
    %select_n3A_154 = arith.select %ge3A_146, %jit3A_152, %jit3A_153 : f32
    %add3A_155 = arith.addf %add3A_129, %select_n3A_154 : f32
    %slice3A_156 = vector.extract_strided_slice %select_n3A {offsets = [9], sizes = [1], strides = [1]} : vector<16xi32> to vector<1xi32>
    %squeeze3A_157 = vector.extract %slice3A_156[0] : i32 from vector<1xi32>
    %ge3A_158 = arith.cmpi sge, %squeeze3A_157, %squeeze3A : i32
    %slice3A_159 = vector.extract_strided_slice %max3A_117 {offsets = [9], sizes = [1], strides = [1]} : vector<16xf32> to vector<1xf32>
    %squeeze3A_160 = vector.extract %slice3A_159[0] : f32 from vector<1xf32>
    %jit3A_161 = arith.constant 0.000000e+00 : f32
    %select_n3A_162 = arith.select %ge3A_158, %squeeze3A_160, %jit3A_161 : f32
    %add3A_163 = arith.addf %add3A_138, %select_n3A_162 : f32
    %jit3A_164 = arith.constant 1.000000e+00 : f32
    %jit3A_165 = arith.constant 0.000000e+00 : f32
    %select_n3A_166 = arith.select %ge3A_158, %jit3A_164, %jit3A_165 : f32
    %add3A_167 = arith.addf %add3A_143, %select_n3A_166 : f32
    %slice3A_168 = vector.extract_strided_slice %select_n3A {offsets = [2], sizes = [1], strides = [1]} : vector<16xi32> to vector<1xi32>
    %squeeze3A_169 = vector.extract %slice3A_168[0] : i32 from vector<1xi32>
    %ge3A_170 = arith.cmpi sge, %squeeze3A_169, %squeeze3A : i32
    %slice3A_171 = vector.extract_strided_slice %max3A_117 {offsets = [2], sizes = [1], strides = [1]} : vector<16xf32> to vector<1xf32>
    %squeeze3A_172 = vector.extract %slice3A_171[0] : f32 from vector<1xf32>
    %jit3A_173 = arith.constant 0.000000e+00 : f32
    %select_n3A_174 = arith.select %ge3A_170, %squeeze3A_172, %jit3A_173 : f32
    %add3A_175 = arith.addf %add3A_151, %select_n3A_174 : f32
    %jit3A_176 = arith.constant 1.000000e+00 : f32
    %jit3A_177 = arith.constant 0.000000e+00 : f32
    %select_n3A_178 = arith.select %ge3A_170, %jit3A_176, %jit3A_177 : f32
    %add3A_179 = arith.addf %add3A_155, %select_n3A_178 : f32
    %slice3A_180 = vector.extract_strided_slice %select_n3A {offsets = [10], sizes = [1], strides = [1]} : vector<16xi32> to vector<1xi32>
    %squeeze3A_181 = vector.extract %slice3A_180[0] : i32 from vector<1xi32>
    %ge3A_182 = arith.cmpi sge, %squeeze3A_181, %squeeze3A : i32
    %slice3A_183 = vector.extract_strided_slice %max3A_117 {offsets = [10], sizes = [1], strides = [1]} : vector<16xf32> to vector<1xf32>
    %squeeze3A_184 = vector.extract %slice3A_183[0] : f32 from vector<1xf32>
    %jit3A_185 = arith.constant 0.000000e+00 : f32
    %select_n3A_186 = arith.select %ge3A_182, %squeeze3A_184, %jit3A_185 : f32
    %add3A_187 = arith.addf %add3A_163, %select_n3A_186 : f32
    %jit3A_188 = arith.constant 1.000000e+00 : f32
    %jit3A_189 = arith.constant 0.000000e+00 : f32
    %select_n3A_190 = arith.select %ge3A_182, %jit3A_188, %jit3A_189 : f32
    %add3A_191 = arith.addf %add3A_167, %select_n3A_190 : f32
    %slice3A_192 = vector.extract_strided_slice %select_n3A {offsets = [3], sizes = [1], strides = [1]} : vector<16xi32> to vector<1xi32>
    %squeeze3A_193 = vector.extract %slice3A_192[0] : i32 from vector<1xi32>
    %ge3A_194 = arith.cmpi sge, %squeeze3A_193, %squeeze3A : i32
    %slice3A_195 = vector.extract_strided_slice %max3A_117 {offsets = [3], sizes = [1], strides = [1]} : vector<16xf32> to vector<1xf32>
    %squeeze3A_196 = vector.extract %slice3A_195[0] : f32 from vector<1xf32>
    %jit3A_197 = arith.constant 0.000000e+00 : f32
    %select_n3A_198 = arith.select %ge3A_194, %squeeze3A_196, %jit3A_197 : f32
    %add3A_199 = arith.addf %add3A_175, %select_n3A_198 : f32
    %jit3A_200 = arith.constant 1.000000e+00 : f32
    %jit3A_201 = arith.constant 0.000000e+00 : f32
    %select_n3A_202 = arith.select %ge3A_194, %jit3A_200, %jit3A_201 : f32
    %add3A_203 = arith.addf %add3A_179, %select_n3A_202 : f32
    %slice3A_204 = vector.extract_strided_slice %select_n3A {offsets = [11], sizes = [1], strides = [1]} : vector<16xi32> to vector<1xi32>
    %squeeze3A_205 = vector.extract %slice3A_204[0] : i32 from vector<1xi32>
    %ge3A_206 = arith.cmpi sge, %squeeze3A_205, %squeeze3A : i32
    %slice3A_207 = vector.extract_strided_slice %max3A_117 {offsets = [11], sizes = [1], strides = [1]} : vector<16xf32> to vector<1xf32>
    %squeeze3A_208 = vector.extract %slice3A_207[0] : f32 from vector<1xf32>
    %jit3A_209 = arith.constant 0.000000e+00 : f32
    %select_n3A_210 = arith.select %ge3A_206, %squeeze3A_208, %jit3A_209 : f32
    %add3A_211 = arith.addf %add3A_187, %select_n3A_210 : f32
    %jit3A_212 = arith.constant 1.000000e+00 : f32
    %jit3A_213 = arith.constant 0.000000e+00 : f32
    %select_n3A_214 = arith.select %ge3A_206, %jit3A_212, %jit3A_213 : f32
    %add3A_215 = arith.addf %add3A_191, %select_n3A_214 : f32
    %slice3A_216 = vector.extract_strided_slice %select_n3A {offsets = [4], sizes = [1], strides = [1]} : vector<16xi32> to vector<1xi32>
    %squeeze3A_217 = vector.extract %slice3A_216[0] : i32 from vector<1xi32>
    %ge3A_218 = arith.cmpi sge, %squeeze3A_217, %squeeze3A : i32
    %slice3A_219 = vector.extract_strided_slice %max3A_117 {offsets = [4], sizes = [1], strides = [1]} : vector<16xf32> to vector<1xf32>
    %squeeze3A_220 = vector.extract %slice3A_219[0] : f32 from vector<1xf32>
    %jit3A_221 = arith.constant 0.000000e+00 : f32
    %select_n3A_222 = arith.select %ge3A_218, %squeeze3A_220, %jit3A_221 : f32
    %add3A_223 = arith.addf %add3A_199, %select_n3A_222 : f32
    %jit3A_224 = arith.constant 1.000000e+00 : f32
    %jit3A_225 = arith.constant 0.000000e+00 : f32
    %select_n3A_226 = arith.select %ge3A_218, %jit3A_224, %jit3A_225 : f32
    %add3A_227 = arith.addf %add3A_203, %select_n3A_226 : f32
    %slice3A_228 = vector.extract_strided_slice %select_n3A {offsets = [12], sizes = [1], strides = [1]} : vector<16xi32> to vector<1xi32>
    %squeeze3A_229 = vector.extract %slice3A_228[0] : i32 from vector<1xi32>
    %ge3A_230 = arith.cmpi sge, %squeeze3A_229, %squeeze3A : i32
    %slice3A_231 = vector.extract_strided_slice %max3A_117 {offsets = [12], sizes = [1], strides = [1]} : vector<16xf32> to vector<1xf32>
    %squeeze3A_232 = vector.extract %slice3A_231[0] : f32 from vector<1xf32>
    %jit3A_233 = arith.constant 0.000000e+00 : f32
    %select_n3A_234 = arith.select %ge3A_230, %squeeze3A_232, %jit3A_233 : f32
    %add3A_235 = arith.addf %add3A_211, %select_n3A_234 : f32
    %jit3A_236 = arith.constant 1.000000e+00 : f32
    %jit3A_237 = arith.constant 0.000000e+00 : f32
    %select_n3A_238 = arith.select %ge3A_230, %jit3A_236, %jit3A_237 : f32
    %add3A_239 = arith.addf %add3A_215, %select_n3A_238 : f32
    %slice3A_240 = vector.extract_strided_slice %select_n3A {offsets = [5], sizes = [1], strides = [1]} : vector<16xi32> to vector<1xi32>
    %squeeze3A_241 = vector.extract %slice3A_240[0] : i32 from vector<1xi32>
    %ge3A_242 = arith.cmpi sge, %squeeze3A_241, %squeeze3A : i32
    %slice3A_243 = vector.extract_strided_slice %max3A_117 {offsets = [5], sizes = [1], strides = [1]} : vector<16xf32> to vector<1xf32>
    %squeeze3A_244 = vector.extract %slice3A_243[0] : f32 from vector<1xf32>
    %jit3A_245 = arith.constant 0.000000e+00 : f32
    %select_n3A_246 = arith.select %ge3A_242, %squeeze3A_244, %jit3A_245 : f32
    %add3A_247 = arith.addf %add3A_223, %select_n3A_246 : f32
    %jit3A_248 = arith.constant 1.000000e+00 : f32
    %jit3A_249 = arith.constant 0.000000e+00 : f32
    %select_n3A_250 = arith.select %ge3A_242, %jit3A_248, %jit3A_249 : f32
    %add3A_251 = arith.addf %add3A_227, %select_n3A_250 : f32
    %slice3A_252 = vector.extract_strided_slice %select_n3A {offsets = [13], sizes = [1], strides = [1]} : vector<16xi32> to vector<1xi32>
    %squeeze3A_253 = vector.extract %slice3A_252[0] : i32 from vector<1xi32>
    %ge3A_254 = arith.cmpi sge, %squeeze3A_253, %squeeze3A : i32
    %slice3A_255 = vector.extract_strided_slice %max3A_117 {offsets = [13], sizes = [1], strides = [1]} : vector<16xf32> to vector<1xf32>
    %squeeze3A_256 = vector.extract %slice3A_255[0] : f32 from vector<1xf32>
    %jit3A_257 = arith.constant 0.000000e+00 : f32
    %select_n3A_258 = arith.select %ge3A_254, %squeeze3A_256, %jit3A_257 : f32
    %add3A_259 = arith.addf %add3A_235, %select_n3A_258 : f32
    %jit3A_260 = arith.constant 1.000000e+00 : f32
    %jit3A_261 = arith.constant 0.000000e+00 : f32
    %select_n3A_262 = arith.select %ge3A_254, %jit3A_260, %jit3A_261 : f32
    %add3A_263 = arith.addf %add3A_239, %select_n3A_262 : f32
    %slice3A_264 = vector.extract_strided_slice %select_n3A {offsets = [6], sizes = [1], strides = [1]} : vector<16xi32> to vector<1xi32>
    %squeeze3A_265 = vector.extract %slice3A_264[0] : i32 from vector<1xi32>
    %ge3A_266 = arith.cmpi sge, %squeeze3A_265, %squeeze3A : i32
    %slice3A_267 = vector.extract_strided_slice %max3A_117 {offsets = [6], sizes = [1], strides = [1]} : vector<16xf32> to vector<1xf32>
    %squeeze3A_268 = vector.extract %slice3A_267[0] : f32 from vector<1xf32>
    %jit3A_269 = arith.constant 0.000000e+00 : f32
    %select_n3A_270 = arith.select %ge3A_266, %squeeze3A_268, %jit3A_269 : f32
    %add3A_271 = arith.addf %add3A_247, %select_n3A_270 : f32
    %jit3A_272 = arith.constant 1.000000e+00 : f32
    %jit3A_273 = arith.constant 0.000000e+00 : f32
    %select_n3A_274 = arith.select %ge3A_266, %jit3A_272, %jit3A_273 : f32
    %add3A_275 = arith.addf %add3A_251, %select_n3A_274 : f32
    %slice3A_276 = vector.extract_strided_slice %select_n3A {offsets = [14], sizes = [1], strides = [1]} : vector<16xi32> to vector<1xi32>
    %squeeze3A_277 = vector.extract %slice3A_276[0] : i32 from vector<1xi32>
    %ge3A_278 = arith.cmpi sge, %squeeze3A_277, %squeeze3A : i32
    %slice3A_279 = vector.extract_strided_slice %max3A_117 {offsets = [14], sizes = [1], strides = [1]} : vector<16xf32> to vector<1xf32>
    %squeeze3A_280 = vector.extract %slice3A_279[0] : f32 from vector<1xf32>
    %jit3A_281 = arith.constant 0.000000e+00 : f32
    %select_n3A_282 = arith.select %ge3A_278, %squeeze3A_280, %jit3A_281 : f32
    %add3A_283 = arith.addf %add3A_259, %select_n3A_282 : f32
    %jit3A_284 = arith.constant 1.000000e+00 : f32
    %jit3A_285 = arith.constant 0.000000e+00 : f32
    %select_n3A_286 = arith.select %ge3A_278, %jit3A_284, %jit3A_285 : f32
    %add3A_287 = arith.addf %add3A_263, %select_n3A_286 : f32
    %slice3A_288 = vector.extract_strided_slice %select_n3A {offsets = [7], sizes = [1], strides = [1]} : vector<16xi32> to vector<1xi32>
    %squeeze3A_289 = vector.extract %slice3A_288[0] : i32 from vector<1xi32>
    %ge3A_290 = arith.cmpi sge, %squeeze3A_289, %squeeze3A : i32
    %slice3A_291 = vector.extract_strided_slice %max3A_117 {offsets = [7], sizes = [1], strides = [1]} : vector<16xf32> to vector<1xf32>
    %squeeze3A_292 = vector.extract %slice3A_291[0] : f32 from vector<1xf32>
    %jit3A_293 = arith.constant 0.000000e+00 : f32
    %select_n3A_294 = arith.select %ge3A_290, %squeeze3A_292, %jit3A_293 : f32
    %add3A_295 = arith.addf %add3A_271, %select_n3A_294 : f32
    %jit3A_296 = arith.constant 1.000000e+00 : f32
    %jit3A_297 = arith.constant 0.000000e+00 : f32
    %select_n3A_298 = arith.select %ge3A_290, %jit3A_296, %jit3A_297 : f32
    %add3A_299 = arith.addf %add3A_275, %select_n3A_298 : f32
    %slice3A_300 = vector.extract_strided_slice %select_n3A {offsets = [15], sizes = [1], strides = [1]} : vector<16xi32> to vector<1xi32>
    %squeeze3A_301 = vector.extract %slice3A_300[0] : i32 from vector<1xi32>
    %ge3A_302 = arith.cmpi sge, %squeeze3A_301, %squeeze3A : i32
    %slice3A_303 = vector.extract_strided_slice %max3A_117 {offsets = [15], sizes = [1], strides = [1]} : vector<16xf32> to vector<1xf32>
    %squeeze3A_304 = vector.extract %slice3A_303[0] : f32 from vector<1xf32>
    %jit3A_305 = arith.constant 0.000000e+00 : f32
    %select_n3A_306 = arith.select %ge3A_302, %squeeze3A_304, %jit3A_305 : f32
    %add3A_307 = arith.addf %add3A_283, %select_n3A_306 : f32
    %jit3A_308 = arith.constant 1.000000e+00 : f32
    %jit3A_309 = arith.constant 0.000000e+00 : f32
    %select_n3A_310 = arith.select %ge3A_302, %jit3A_308, %jit3A_309 : f32
    %add3A_311 = arith.addf %add3A_287, %select_n3A_310 : f32
    %broadcast_in_dim3A_312 = vector.broadcast %add3A_295 : f32 to vector<16xf32>
    %broadcast_in_dim3A_313 = vector.broadcast %add3A_307 : f32 to vector<16xf32>
    %select_n3A_314 = arith.select %lt3A_9, %broadcast_in_dim3A_312, %broadcast_in_dim3A_313 : vector<16xi1>, vector<16xf32>
    %max3A_315 = arith.constant 1.000000e+00 : f32
    %max3A_316 = arith.maximumf %add3A_299, %max3A_315 : f32
    %max3A_317 = arith.constant 1.000000e+00 : f32
    %max3A_318 = arith.maximumf %add3A_311, %max3A_317 : f32
    %broadcast_in_dim3A_319 = vector.broadcast %max3A_316 : f32 to vector<16xf32>
    %broadcast_in_dim3A_320 = vector.broadcast %max3A_318 : f32 to vector<16xf32>
    %select_n3A_321 = arith.select %lt3A_9, %broadcast_in_dim3A_319, %broadcast_in_dim3A_320 : vector<16xi1>, vector<16xf32>
    %div3A = arith.divf %select_n3A_314, %select_n3A_321 : vector<16xf32>
    %broadcast_in_dim3A_322 = vector.broadcast %add3A_299 : f32 to vector<16xf32>
    %broadcast_in_dim3A_323 = vector.broadcast %add3A_311 : f32 to vector<16xf32>
    %select_n3A_324 = arith.select %lt3A_9, %broadcast_in_dim3A_322, %broadcast_in_dim3A_323 : vector<16xi1>, vector<16xf32>
    %gt3A = arith.constant 0.000000e+00 : f32
    %gt3A_325 = vector.broadcast %gt3A : f32 to vector<16xf32>
    %gt3A_326 = arith.cmpf ogt, %select_n3A_324, %gt3A_325 : vector<16xf32>
    %broadcast_in_dim3A_327 = arith.constant 0.000000e+00 : f32
    %broadcast_in_dim3A_328 = vector.broadcast %broadcast_in_dim3A_327 : f32 to vector<16xf32>
    %select_n3A_329 = arith.select %gt3A_326, %div3A, %broadcast_in_dim3A_328 : vector<16xi1>, vector<16xf32>
    %slice3A_330 = vector.extract_strided_slice %select_n3A_329 {offsets = [0], sizes = [1], strides = [1]} : vector<16xf32> to vector<1xf32>
    %squeeze3A_331 = vector.extract %slice3A_330[0] : f32 from vector<1xf32>
    %broadcast_in_dim3A_332 = vector.broadcast %squeeze3A_331 : f32 to vector<16xf32>
    %slice3A_333 = vector.extract_strided_slice %select_n3A_329 {offsets = [8], sizes = [1], strides = [1]} : vector<16xf32> to vector<1xf32>
    %squeeze3A_334 = vector.extract %slice3A_333[0] : f32 from vector<1xf32>
    %broadcast_in_dim3A_335 = vector.broadcast %squeeze3A_334 : f32 to vector<16xf32>
    %swap3A = arith.constant 0 : index
    %swap3A_336 = tpu.vector_load %arg14[%swap3A] {strides = array<i32>} : memref<32xf32, #tpu.memory_space<vmem>>, vector<16xf32>,
    %swap3A_337 = vector.shape_cast %swap3A_336 : vector<16xf32> to vector<16xf32>
    %swap3A_338 = vector.shape_cast %broadcast_in_dim3A_332 : vector<16xf32> to vector<16xf32>
    tpu.vector_store %arg14[%swap3A], %swap3A_338 {strides = array<i32>} : memref<32xf32, #tpu.memory_space<vmem>>, vector<16xf32>,
    %swap3A_339 = arith.constant 16 : index
    %swap3A_340 = tpu.vector_load %arg14[%swap3A_339] {strides = array<i32>} : memref<32xf32, #tpu.memory_space<vmem>>, vector<16xf32>,
    %swap3A_341 = vector.shape_cast %swap3A_340 : vector<16xf32> to vector<16xf32>
    %swap3A_342 = vector.shape_cast %broadcast_in_dim3A_335 : vector<16xf32> to vector<16xf32>
    tpu.vector_store %arg14[%swap3A_339], %swap3A_342 {strides = array<i32>} : memref<32xf32, #tpu.memory_space<vmem>>, vector<16xf32>,
    %mul3A_343 = arith.constant 32 : i32
    %mul3A_344 = arith.muli %mul3A_343, %arg1 : i32
    "tpu.region"() ({
      %run_scoped3A = tpu.sem_alloc : memref<!tpu.dma_semaphore, #tpu.memory_space<semaphore_mem>>
      %dma_start3A_345 = tpu.memref_slice %arg4[%mul3A_344] : memref<512xf32, #tpu.memory_space<hbm>> -> memref<32xf32, #tpu.memory_space<hbm>>
      %dma_start3A_346 = tpu.memref_slice %arg4[%mul3A_344] : memref<512xf32, #tpu.memory_space<hbm>> -> memref<32xf32, #tpu.memory_space<hbm>>
      tpu.enqueue_dma source(%arg14 : memref<32xf32, #tpu.memory_space<vmem>>) target(%dma_start3A_346 : memref<32xf32, #tpu.memory_space<hbm>>) target_semaphore(%run_scoped3A : memref<!tpu.dma_semaphore, #tpu.memory_space<semaphore_mem>>)
      %dma_wait3A_347 = tpu.memref_slice %arg4[%mul3A_344] : memref<512xf32, #tpu.memory_space<hbm>> -> memref<32xf32, #tpu.memory_space<hbm>>
      %dma_wait3A_348 = tpu.memref_slice %arg4[%mul3A_344] : memref<512xf32, #tpu.memory_space<hbm>> -> memref<32xf32, #tpu.memory_space<hbm>>
      tpu.wait_dma2 semaphore(%run_scoped3A : memref<!tpu.dma_semaphore, #tpu.memory_space<semaphore_mem>>) src(%arg14 : memref<32xf32, #tpu.memory_space<vmem>>) dst(%dma_wait3A_348 : memref<32xf32, #tpu.memory_space<hbm>>)
      tpu.yield
    }) : () -> ()
    return
  }
}

</mosaic_0001>

<sc_bundles>
// kernel: kernel.3.cloned.1.call-start
scs
__scs_entry_jumppad:
0x0: {  	(pc) =	sbr.rel $0x88, $3  }
0x1: {  	(tag) =	ssettag $0x0;
	lr =	simm.s32 $0x1  }
0x2: {  	[smem:$0x3F9E] =	sst lr;
	_ =	strace $0xD0000000  }
0x3: {  	_ = 	snop  }
0x4: {  	_ = 	snop  }
0x5: {  	_ = 	snop  }
0x6: {  	_ = 	snop  }
0x7: {  	_ = 	snop  }
__scs_overlays_trampoline_lowered:
0x8: {  	[smem:$0x3FAD] =	sst s0  }
0x9: {  	[smem:$0x3FAE] =	sst s1  }
0xa: {  	[smem:$0x3FAF] =	sst s2  }
0xb: {  	[smem:$0x3FB0] =	sst s3  }
0xc: {  	[smem:$0x3FB1] =	sst s4  }
0xd: {  	[smem:$0x3FB2] =	sst s5  }
0xe: {  	[smem:$0x3FB3] =	sst s6  }
0xf: {  	[smem:$0x3FB4] =	sst s7  }
0x10: {  	[smem:$0x3FB5] =	sst s8  }
0x11: {  	[smem:$0x3FB6] =	sst s9;
	s0 =	simm.s32 @!p0 $0x0  }
0x12: {  	s1 =	sld [smem:$0x3F9C];
	s0 =	simm.s32 @p0 $0x1  }
0x13: {  	[smem:$0x3FB7] =	sst s0;
	s0 =	simm.s32 @!p1 $0x0  }
0x14: {  	s2 =	sld [smem:$0x3F9B];
	s0 =	simm.s32 @p1 $0x1  }
0x15: {  	[smem:$0x3FB8] =	sst s0;
	s0 =	simm.s32 @!p2 $0x0  }
0x16: {  	s3 =	sld [smem:$0x3FDB];
	s0 =	simm.s32 @p2 $0x1  }
0x17: {  	s4 =	simm.s32 $0x1BF5;
	[smem:$0x3FBA] =	sst s0  }
0x18: {  	s0 =	sld [smem:$0x3F9D];
	_ =	swait.ge [sflag:s4], $0x0  }
0x19: {  	s7 =	sld [smem:$0x3F9E]  }
0x1a: {  	s8 =	sadd.s32 $0xFFFFE003, lr  }
0x1b: {  	s9 =	sadd.s32 $0xFFFFFEF7, lr;
	s5 =	simm.s32 $0xFFFFFFFF;
	p2 =	slt.u32 s8, $0xFFFFF086  }
0x1c: {  	p1 =	slt.u32 s9, $0xF7A;
	s5 =	simm.s32 @!p2 $0x0  }
0x1d: {  	s5 =	simm.s32 @p1 $0x1;
	p0 =	seq.s32 s7, s2  }
0x1e: {  	s7 =	smul.u32 @!p0 $0xF7A, s2;
	p2 =	seq.s32 @!p0 s5, $0x0  }
0x1f: {  	s9 =	smul.u32 $0xF7A, s1;
	s8 =	simm.s32 @!p0 $0x1BF5;
	p2 =	por !p2, p0  }
0x20: {  	[sflag:s8] =	ssyncset.s32 @!p0 $0xFFFFF086;
	s6 =	sadd.s32 @!p0 s3, s7;
	s7 =	simm.s32 @!p0 $0x108  }
0x21: {  	s3 =	sadd.s32 s3, s9;
	s6 =	sadd.s32 @!p0 $0x88, s6;
	s7 =	simm.s32 @p2 $0x1082  }
0x22: {  	[simem:s7], [sflag:s8] =	dma.local @!p0 [hbm:s6], $0xF7A  }
0x23: {  	s9 =	sor.u32 $0xD0000000, s2;
	s6 =	simm.s32 $0x108;
	_ =	swait.ge @!p0 [sflag:s8], $0x0  }
0x24: {  	s3 =	sadd.s32 $0x88, s3;
	s6 =	simm.s32 @!p1 $0x1082;
	[sflag:s4] =	ssyncset.s32 $0xFFFFF086  }
0x25: {  	[simem:s6], [sflag:s4] =	dma.local [hbm:s3], $0xF7A  }
0x26: {  	[smem:$0x3F9E] =	sst s1;
	(tag) =	ssettag s2;
	_ =	strace s9  }
0x27: {  	s1 =	sld [smem:$0x3FAE]  }
0x28: {  	s2 =	sld [smem:$0x3FAF]  }
0x29: {  	s4 =	sld [smem:$0x3FB1]  }
0x2a: {  	p0 =	seq.s32 s5, $0x0;
	s5 =	sld [smem:$0x3FB2]  }
0x2b: {  	s6 =	sld [smem:$0x3FB3]  }
0x2c: {  	s7 =	sld [smem:$0x3FB4]  }
0x2d: {  	s3 =	simm.s32 $0x108;
	s8 =	sld [smem:$0x3FB5]  }
0x2e: {  	s3 =	simm.s32 @!p0 $0x1082;
	s9 =	sld [smem:$0x3FB6]  }
0x2f: {  	lr =	sadd.s32 s0, s3;
	s0 =	sld [smem:$0x3FAD]  }
0x30: {  	s3 =	sld [smem:$0x3FB0]  }
0x31: {  	[smem:$0x3FB9] =	sst s10  }
0x32: {  	s10 =	sld [smem:$0x3FB7];
	_ =	sdelay $0x3  }
0x33: {  	p0 =	seq.s32 s10, $0x1;
	s10 =	sld [smem:$0x3FB9];
	_ =	sdelay $0x3  }
0x34: {  	[smem:$0x3FB9] =	sst s10  }
0x35: {  	s10 =	sld [smem:$0x3FB8];
	_ =	sdelay $0x3  }
0x36: {  	p1 =	seq.s32 s10, $0x1;
	s10 =	sld [smem:$0x3FB9];
	_ =	sdelay $0x3  }
0x37: {  	[smem:$0x3FB9] =	sst s10  }
0x38: {  	s10 =	sld [smem:$0x3FBA]  }
0x39: {  	_ = 	snop;
	(pc) =	sbr.ind lr, $3  }
0x3a: {  	_ = 	snop  }
0x3b: {  	_ = 	snop  }
0x3c: {  	p2 =	seq.s32 s10, $0x1;
	s10 =	sld [smem:$0x3FB9]  }
0x3d: {  	_ =	shalt  }
0x3e: {  	_ =	shalt  }
0x3f: {  	_ =	shalt  }
0x40: {  	_ =	shalt  }
0x41: {  	_ =	shalt  }
0x42: {  	_ =	shalt  }
0x43: {  	_ =	shalt  }
0x44: {  	_ =	shalt  }
0x45: {  	_ =	shalt  }
0x46: {  	_ =	shalt  }
0x47: {  	_ =	shalt  }
0x48: {  	_ =	shalt  }
0x49: {  	_ =	shalt  }
0x4a: {  	_ =	shalt  }
0x4b: {  	_ =	shalt  }
0x4c: {  	_ =	shalt  }
0x4d: {  	_ =	shalt  }
0x4e: {  	_ =	shalt  }
0x4f: {  	_ =	shalt  }
0x50: {  	_ =	shalt  }
0x51: {  	_ =	shalt  }
0x52: {  	_ =	shalt  }
0x53: {  	_ =	shalt  }
0x54: {  	_ =	shalt  }
0x55: {  	_ =	shalt  }
0x56: {  	_ =	shalt  }
0x57: {  	_ =	shalt  }
0x58: {  	_ =	shalt  }
0x59: {  	_ =	shalt  }
0x5a: {  	_ =	shalt  }
0x5b: {  	_ =	shalt  }
0x5c: {  	_ =	shalt  }
0x5d: {  	_ =	shalt  }
0x5e: {  	_ =	shalt  }
0x5f: {  	_ =	shalt  }
0x60: {  	_ =	shalt  }
0x61: {  	_ =	shalt  }
0x62: {  	_ =	shalt  }
0x63: {  	_ =	shalt  }
0x64: {  	_ =	shalt  }
0x65: {  	_ =	shalt  }
0x66: {  	_ =	shalt  }
0x67: {  	_ =	shalt  }
0x68: {  	_ =	shalt  }
0x69: {  	_ =	shalt  }
0x6a: {  	_ =	shalt  }
0x6b: {  	_ =	shalt  }
0x6c: {  	_ =	shalt  }
0x6d: {  	_ =	shalt  }
0x6e: {  	_ =	shalt  }
0x6f: {  	_ =	shalt  }
0x70: {  	_ =	shalt  }
0x71: {  	_ =	shalt  }
0x72: {  	_ =	shalt  }
0x73: {  	_ =	shalt  }
0x74: {  	_ =	shalt  }
0x75: {  	_ =	shalt  }
0x76: {  	_ =	shalt  }
0x77: {  	_ =	shalt  }
0x78: {  	_ =	shalt  }
0x79: {  	_ =	shalt  }
0x7a: {  	_ =	shalt  }
0x7b: {  	_ =	shalt  }
0x7c: {  	_ =	shalt  }
0x7d: {  	_ =	shalt  }
0x7e: {  	_ =	shalt  }
0x7f: {  	_ =	shalt  }
0x80: {  	_ =	shalt  }
0x81: {  	_ =	shalt  }
0x82: {  	_ =	shalt  }
0x83: {  	_ =	shalt  }
0x84: {  	_ =	shalt  }
0x85: {  	_ =	shalt  }
0x86: {  	_ =	shalt  }
0x87: {  	_ =	shalt  }
.Lfunc_end0:
.L_simem_size_0:
called_computation_lowered:
.L_overlay_start_0:
0x88: {  	s0 =	sld [smem:$0x3FD9]  }
0x89: {  	s1 =	sld [smem:$0x3FFE];
	_ =	sdelay $0x3  }
0x8a: {  	s0 =	sadd.s32 s1, s0  }
0x8b: {  	[smem:$0x3FC5] =	sst s0  }
0x8c: {  	_ = 	snop  }
0x8d: {  	(tm) =	ssettm $0x1  }
0x8e: {  	s15 =	sld [smem:$0x3FFB];
	_ =	sdelay $0x3  }
0x8f: {  	_ =	strace s15  }
0x90: {  	s0 =	sld [smem:$0x3FFC];
	_ =	sdelay $0x3  }
0x91: {  	_ =	strace s0  }
0x92: {  	s0 =	sld [smem:$0x3FFD];
	_ =	sdelay $0x3  }
0x93: {  	_ =	strace s0  }
0x94: {  	_ =	strace $0x8FFFFFFF  }
0x95: {  	s16 =	sld [smem:$0x3FDB];
	_ =	sdelay $0x1  }
0x96: {  	s17 =	simm.s32 $_scs_section_size  }
0x97: {  	s2 =	simm.s32 $_size__tile_overlayer_lowered;
	s3 =	simm.s32 $_tile_overlayer_lowered  }
0x98: {  	s20 =	simm.s32 $0x1BFF;
	s19 =	sshll.u32 s3, $0x1;
	s0 =	sadd.s32 s17, s16  }
0x99: {  	s4 =	simm.s32 $0x0;
	s18 =	sshll.u32 s2, $0x1;
	s2 =	sadd.s32 s19, s0  }
0x9a: {  	[timem:s4], [sflag:s20] =	dma.local [hbm:s2], s18  }
0x9b: {  	_ =	swait.ge [sflag:s20], s18  }
0x9c: {  	s1 =	ssub.s32 $0x0, s18;
	[sflag:s20] =	ssyncset.done $0x0  }
0x9d: {  	[sflag:s20] =	ssyncadd.s32 s1;
	_ =	sdelay $0x1  }
0x9e: {  	s21 =	simm.s32 $0x1B8B  }
0x9f: {  	_ =	swait.ge [sflag:s21], $0x1  }
0xa0: {  	[sflag:s21] =	ssyncset.done $0x0  }
0xa1: {  	s23 =	simm.s32 $0x1B8E;
	s22 =	sld [smem:$0x3FFE];
	[sflag:s21] =	ssyncadd.s32 $0xFFFFFFFF  }
0xa2: {  	s24 =	simm.s32 $execute0_lowered;
	[smem:$0x3FD2] =	sst s23  }
0xa3: {  	s2 =	sshll.u32 s24, $0x1;
	_ =	strace $0x80000046;
	[dreg:$0x1] =	wrdreg $0xFFFFFFFF  }
0xa4: {  	s25 =	simm.s32 $_size_execute0_lowered;
	s0 =	sadd.s32 s0, s2;
	[dreg:$0x0] =	wrdreg $0x0  }
0xa5: {  	s2 =	sshll.u32 s25, $0x1;
	[dreg:$0x2] =	wrdreg s0  }
0xa6: {  	[dreg:$0x3] =	wrdreg s2  }
0xa7: {  	[dreg:$0x4] =	wrdreg $0xC0  }
0xa8: {  	_ =	task [dreg:s4], $0x5FFFF  }
0xa9: {  	[dreg:$0x1] =	wrdreg $0xFFFFFFFF  }
0xaa: {  	[dreg:$0x0] =	wrdreg $0x60  }
0xab: {  	[dreg:$0x2] =	wrdreg s22  }
0xac: {  	[dreg:$0x3] =	wrdreg $0x9  }
0xad: {  	_ =	task.clear_ibuf [dreg:s4], $0x4FFFF;
	_ =	strace $0x90000046  }
0xae: {  	s26 =	simm.s32 $0x9;
	_ =	strace $0x80000048  }
0xaf: {  	_ =	swait.ge [sflag:s26], $0x1  }
0xb0: {  	[sflag:s26] =	ssyncadd.s32 $0xFFFFFFFF  }
0xb1: {  	_ =	strace $0x90000048  }
0xb2: {  	_ =	sfence  }
0xb3: {  	s28 =	sld [smem:$0x0];
	_ =	sdelay $0x1  }
0xb4: {  	s29 =	srdreg.scid  }
0xb5: {  	s30 =	sshll.u32 s29, $0xD;
	s31 =	sshrl.u32 s29, $0x2  }
0xb6: {  	s1 =	sand.u32 $0x1, s29;
	s2 =	sand.u32 $0x4000, s30;
	s0 =	sadd.s32 s31, s28  }
0xb7: {  	s1 =	sor.u32 s2, s1;
	s0 =	sshll.u32 s0, $0x11  }
0xb8: {  	s0 =	sor.u32 s0, s1  }
0xb9: {  	s0 =	sadd.s32 $0x8F2B, s0  }
0xba: {  	[sflag:s0] =	ssyncadd.remote.s32 $0x1  }
0xbb: {  	_ =	sfence.sel $0xFFFF  }
0xbc: {  	[dreg:$0x0] =	wrdreg $0xFFFFFFFF;
	(pc) =	sbr.abs _section_cstart, $3  }
0xbd: {  	[dreg:$0x1] =	wrdreg $0xFFFFFFFF  }
0xbe: {  	_ =	task.clear_ibuf [dreg:s4], $0x2FFFF;
	_ =	strace $0x9FFFFFFF  }
0xbf: {  	(tm) =	ssettm $0x7FFFFFFF  }
tec
execute0_lowered:
.L_overlay_start_1:
0x0: {  	(tag) =	ssettag $0x1  }
0x1: {  	s1 =	stileid.u32  }
0x2: {  	s5 =	rddreg [dreg:$0x0];
	s2 =	simm.s32 $0x0;
	s3 =	sshll.u32 s1, $0x2  }
0x3: {  	[smem:$0x7FF] =	sst s2;
	s4 =	sadd.s32 s3, s5  }
0x4: {  	s0 =	rddreg [dreg:$0x1];
	_ =	strace $0x80000047;
	s3 =	sadd.s32 $0x4E00, s4  }
0x5: {  	[tilespmem:s2], [sflag:$0x2] =	stream.linear.gather [hbm4b:s3+s2], $0x20, $0x38;
	[tilespmem:$0x500] =	vst v63  }
0x6: {  	s3 =	simm.s32 $0x2  }
0x7: {  	_ =	swait.ge [sflag:s3], $0x20  }
0x8: {  	[sflag:s3] =	ssyncset.done $0x0  }
0x9: {  	[sflag:s3] =	ssyncadd.s32 $0xFFFFFFE0  }
0xa: {  	v0 =	vld [tilespmem:$0x10]  }
0xb: {  	v2 =	vlaneseq.u32  }
0xc: {  	v2 =	vmul.u32 $0xFFFFFFFF, v2;
	v1 =	vld [tilespmem:$0x0]  }
0xd: {  	s6 =	sshllo.u32 s1, $0x1  }
0xe: {  	vm0 =	vmmov $0xff;
	s7 =	sshll.u32 s1, $0x1;
	v3 =	vmov s6;
	v2 =	vadd.s32 $0xF, v2  }
0xf: {  	v3 =	vsel vm0, s7, v3;
	v0 =	vperm.xlane v0, v2  }
0x10: {  	v43 =	vmul.u32 $0x258, v3  }
0x11: {  	v44 =	vsel vm0, v1, v0  }
0x12: {  	v2 =	vadd.s32 v43, v44  }
0x13: {  	vm1 =	vgt.s32 v2, $0x0  }
0x14: {  	v2 =	vnsel vm1, $0x0, v2  }
0x15: {  	v2 =	vmin.u32 v2, $0x4AFF  }
0x16: {  	v2 =	vshll.u32 v2, $0x3;
	_ =	sdelay $0x1  }
0x17: {  	v45 =	vor.u32 $0x1, v2;
	_ =	sdelay $0x1  }
0x18: {  	vm15 =	vmmov $0xffff;
	s21 =	simm.s32 $0x80;
	s5 =	sadd.s32 $0x200, s5;
	v4 =	vor.u32 $0x2, v2  }
0x19: {  	[tilespmem:s21], [sflag:$0x1] =	stream.indirect_vreg.gather [hbm4b:s5+s2], $0x1, v2, vm15, $0xb8;
	[tilespmem:$0x500] =	vst v63  }
0x1a: {  	s22 =	simm.s32 $0x100;
	v5 =	vor.u32 $0x3, v2  }
0x1b: {  	[tilespmem:s22], [sflag:$0x1] =	stream.indirect_vreg.gather [hbm4b:s5+s2], $0x1, v45, vm15, $0xb8;
	[tilespmem:$0x500] =	vst v63  }
0x1c: {  	s23 =	simm.s32 $0x180;
	v46 =	vor.u32 $0x4, v2  }
0x1d: {  	[tilespmem:s23], [sflag:$0x1] =	stream.indirect_vreg.gather [hbm4b:s5+s2], $0x1, v4, vm15, $0xb8;
	[tilespmem:$0x500] =	vst v63  }
0x1e: {  	s24 =	simm.s32 $0x200;
	v47 =	vor.u32 $0x5, v2  }
0x1f: {  	[tilespmem:s24], [sflag:$0x1] =	stream.indirect_vreg.gather [hbm4b:s5+s2], $0x1, v5, vm15, $0xb8;
	[tilespmem:$0x500] =	vst v63  }
0x20: {  	s25 =	simm.s32 $0x280;
	v48 =	vor.u32 $0x6, v2  }
0x21: {  	[tilespmem:s25], [sflag:$0x1] =	stream.indirect_vreg.gather [hbm4b:s5+s2], $0x1, v46, vm15, $0xb8;
	[tilespmem:$0x500] =	vst v63  }
0x22: {  	s26 =	simm.s32 $0x300;
	v2 =	vor.u32 $0x7, v2  }
0x23: {  	[tilespmem:s26], [sflag:$0x1] =	stream.indirect_vreg.gather [hbm4b:s5+s2], $0x1, v47, vm15, $0xb8;
	[tilespmem:$0x500] =	vst v63  }
0x24: {  	s28 =	simm.s32 $0x380  }
0x25: {  	[tilespmem:s28], [sflag:$0x1] =	stream.indirect_vreg.gather [hbm4b:s5+s2], $0x1, v48, vm15, $0xb8;
	[tilespmem:$0x500] =	vst v63  }
0x26: {  	s29 =	simm.s32 $0x400;
	s30 =	simm.s32 $0x1  }
0x27: {  	[tilespmem:s29], [sflag:$0x1] =	stream.indirect_vreg.gather [hbm4b:s5+s2], $0x1, v2, vm15, $0xb8;
	[tilespmem:$0x500] =	vst v63  }
0x28: {  	_ =	swait.ge [sflag:s30], $0x10  }
0x29: {  	[sflag:s30] =	ssyncset.done $0x0  }
0x2a: {  	[sflag:s30] =	ssyncadd.s32 $0xFFFFFFF0  }
0x2b: {  	_ =	swait.ge [sflag:s30], $0x10  }
0x2c: {  	[sflag:s30] =	ssyncset.done $0x0  }
0x2d: {  	[sflag:s30] =	ssyncadd.s32 $0xFFFFFFF0  }
0x2e: {  	_ =	swait.ge [sflag:s30], $0x10  }
0x2f: {  	[sflag:s30] =	ssyncset.done $0x0  }
0x30: {  	[sflag:s30] =	ssyncadd.s32 $0xFFFFFFF0  }
0x31: {  	_ =	swait.ge [sflag:s30], $0x10  }
0x32: {  	[sflag:s30] =	ssyncset.done $0x0  }
0x33: {  	[sflag:s30] =	ssyncadd.s32 $0xFFFFFFF0  }
0x34: {  	_ =	swait.ge [sflag:s30], $0x10  }
0x35: {  	[sflag:s30] =	ssyncset.done $0x0  }
0x36: {  	[sflag:s30] =	ssyncadd.s32 $0xFFFFFFF0  }
0x37: {  	_ =	swait.ge [sflag:s30], $0x10  }
0x38: {  	[sflag:s30] =	ssyncset.done $0x0  }
0x39: {  	[sflag:s30] =	ssyncadd.s32 $0xFFFFFFF0  }
0x3a: {  	_ =	swait.ge [sflag:s30], $0x10  }
0x3b: {  	[sflag:s30] =	ssyncset.done $0x0  }
0x3c: {  	[sflag:s30] =	ssyncadd.s32 $0xFFFFFFF0  }
0x3d: {  	_ =	swait.ge [sflag:s30], $0x10  }
0x3e: {  	[sflag:s30] =	ssyncset.done $0x0  }
0x3f: {  	[sflag:s30] =	ssyncadd.s32 $0xFFFFFFF0  }
0x40: {  	v49 =	vld [tilespmem:$0x80]  }
0x41: {  	v50 =	vld [tilespmem:$0x100]  }
0x42: {  	v51 =	vld [tilespmem:$0x180]  }
0x43: {  	v52 =	vld [tilespmem:$0x200]  }
0x44: {  	v6 =	vld [tilespmem:$0x280]  }
0x45: {  	v7 =	vld [tilespmem:$0x300]  }
0x46: {  	v8 =	vld [tilespmem:$0x380]  }
0x47: {  	v9 =	vld [tilespmem:$0x400];
	_ =	sdelay $0x3  }
0x48: {  	v2 =	vadd.f32 v50, v49;
	v53 =	vadd.f32 v52, v51  }
0x49: {  	v54 =	vadd.f32 v7, v6;
	v55 =	vadd.f32 v9, v8;
	_ =	sdelay $0x1  }
0x4a: {  	v2 =	vadd.f32 v53, v2;
	v56 =	vadd.f32 v55, v54;
	_ =	sdelay $0x1  }
0x4b: {  	v2 =	vadd.f32 v56, v2;
	_ =	sdelay $0x1  }
0x4c: {  	(v2sf) =	vpush v1, $0x8;
	v2 =	vsub.f32 $5.000000000e-01, v2;
	_ =	sdelay $0x1  }
0x4d: {  	(v2sf) =	vpush v1, $0x0;
	v2 =	vmax.f32 v2, $0.0e+00  }
0x4e: {  	(v2sf) =	vpush v2, $0x0  }
0x4f: {  	(v2sf) =	vpush v0, $0x8  }
0x50: {  	(v2sf) =	vpush v2, $0x8  }
0x51: {  	(v2sf) =	vpush v1, $0x1;
	_ =	sdelay $0x1  }
0x52: {  	(v2sf) =	vpush v2, $0x1  }
0x53: {  	(v2sf) =	vpush v0, $0x9  }
0x54: {  	(v2sf) =	vpush v2, $0x9  }
0x55: {  	(v2sf) =	vpush v1, $0x2  }
0x56: {  	(v2sf) =	vpush v2, $0x2  }
0x57: {  	(v2sf) =	vpush v0, $0xA  }
0x58: {  	(v2sf) =	vpush v2, $0xA  }
0x59: {  	s31 =	spop (v2sf);
	(v2sf) =	vpush v1, $0x3;
	_ =	sdelay $0x1  }
0x5a: {  	s17 =	spop (v2sf);
	(v2sf) =	vpush v2, $0x3  }
0x5b: {  	s7 =	spop (v2sf);
	(v2sf) =	vpush v0, $0xB  }
0x5c: {  	s8 =	spop (v2sf);
	(v2sf) =	vpush v2, $0xB  }
0x5d: {  	s10 =	simm.f32 $0.0e+00;
	p0 =	slt.s32 s17, s31;
	s9 =	spop (v2sf);
	(v2sf) =	vpush v1, $0x4  }
0x5e: {  	s13 =	simm.f32 $0.0e+00;
	s10 =	simm.s32 @!p0 $0x3F800000;
	s18 =	spop (v2sf);
	(v2sf) =	vpush v2, $0x4  }
0x5f: {  	s7 =	simm.s32 @p0 $0x0;
	p0 =	slt.s32 s8, s31;
	s8 =	simm.f32 $0.0e+00  }
0x60: {  	s9 =	simm.s32 @p0 $0x0;
	s11 =	spop (v2sf);
	p1 =	slt.s32 s18, s31  }
0x61: {  	s13 =	simm.s32 @!p0 $0x3F800000;
	(v2sf) =	vpush v0, $0xC;
	s12 =	spop (v2sf);
	s11 =	simm.s32 @p1 $0x0  }
0x62: {  	(v2sf) =	vpush v2, $0xC;
	s8 =	simm.s32 @!p1 $0x3F800000;
	s6 =	spop (v2sf);
	p0 =	slt.s32 s12, s31  }
0x63: {  	(v2sf) =	vpush v1, $0x5;
	s7 =	sadd.f32 s11, s7;
	s19 =	spop (v2sf);
	s6 =	simm.s32 @p0 $0x0  }
0x64: {  	(v2sf) =	vpush v2, $0x5;
	s14 =	spop (v2sf);
	s9 =	sadd.f32 s6, s9;
	s6 =	simm.f32 $0.0e+00  }
0x65: {  	s8 =	sadd.f32 s8, s10;
	(v2sf) =	vpush v0, $0xD;
	s20 =	spop (v2sf);
	s6 =	simm.s32 @!p0 $0x3F800000  }
0x66: {  	(v2sf) =	vpush v2, $0xD;
	p0 =	slt.s32 s19, s31;
	s12 =	spop (v2sf);
	s13 =	sadd.f32 s6, s13  }
0x67: {  	(v2sf) =	vpush v1, $0x6;
	s14 =	simm.s32 @p0 $0x0;
	s6 =	simm.f32 $0.0e+00;
	s15 =	spop (v2sf)  }
0x68: {  	(v2sf) =	vpush v2, $0x6;
	s7 =	sadd.f32 s7, s14;
	s6 =	simm.s32 @!p0 $0x3F800000;
	p0 =	slt.s32 s20, s31  }
0x69: {  	s11 =	spop (v2sf);
	(v2sf) =	vpush v0, $0xE;
	s8 =	sadd.f32 s8, s6;
	s12 =	simm.s32 @p0 $0x0  }
0x6a: {  	s9 =	sadd.f32 s9, s12;
	s12 =	simm.f32 $0.0e+00;
	s16 =	spop (v2sf);
	(v2sf) =	vpush v2, $0xE  }
0x6b: {  	s12 =	simm.s32 @!p0 $0x3F800000;
	p0 =	slt.s32 s15, s31;
	s14 =	spop (v2sf);
	(v2sf) =	vpush v1, $0x7  }
0x6c: {  	s12 =	sadd.f32 s13, s12;
	s11 =	simm.s32 @p0 $0x0;
	s17 =	spop (v2sf);
	(v2sf) =	vpush v2, $0x7  }
0x6d: {  	s7 =	sadd.f32 s7, s11;
	s11 =	simm.f32 $0.0e+00;
	s18 =	spop (v2sf);
	(v2sf) =	vpush v0, $0xF  }
0x6e: {  	s11 =	simm.s32 @!p0 $0x3F800000;
	p0 =	slt.s32 s16, s31;
	s16 =	simm.f32 $0.0e+00  }
0x6f: {  	s8 =	sadd.f32 s8, s11;
	s14 =	simm.s32 @p0 $0x0;
	p2 =	slt.s32 s17, s31  }
0x70: {  	s17 =	simm.f32 $0.0e+00;
	s21 =	spop (v2sf);
	s9 =	sadd.f32 s9, s14  }
0x71: {  	s14 =	simm.f32 $0.0e+00;
	s18 =	simm.s32 @p2 $0x0;
	s6 =	spop (v2sf)  }
0x72: {  	s16 =	simm.s32 @!p2 $0x3F800000;
	s14 =	simm.s32 @!p0 $0x3F800000;
	s19 =	spop (v2sf)  }
0x73: {  	p6 =	slt.s32 s21, s31;
	s8 =	sadd.f32 s8, s16;
	s13 =	spop (v2sf)  }
0x74: {  	s16 =	simm.f32 $0.0e+00;
	s12 =	sadd.f32 s12, s14;
	s22 =	spop (v2sf)  }
0x75: {  	s17 =	simm.s32 @!p6 $0x3F800000;
	p4 =	slt.s32 s19, s31;
	s11 =	spop (v2sf)  }
0x76: {  	s28 =	sadd.f32 s12, s17;
	s12 =	simm.f32 $0.0e+00;
	s23 =	spop (v2sf)  }
0x77: {  	s16 =	simm.s32 @!p4 $0x3F800000;
	p1 =	slt.s32 s22, s31;
	s14 =	spop (v2sf)  }
0x78: {  	s8 =	sadd.f32 s8, s16;
	s16 =	simm.f32 $0.0e+00;
	(v2sf) =	vpush v2, $0xF;
	s24 =	spop (v2sf)  }
0x79: {  	s12 =	simm.s32 @!p1 $0x3F800000;
	p0 =	slt.s32 s23, s31;
	s10 =	spop (v2sf)  }
0x7a: {  	s5 =	sadd.f32 s28, s12;
	s12 =	simm.f32 $0.0e+00;
	s25 =	spop (v2sf)  }
0x7b: {  	s16 =	simm.s32 @!p0 $0x3F800000;
	p2 =	slt.s32 s24, s31;
	s15 =	spop (v2sf)  }
0x7c: {  	s8 =	sadd.f32 s8, s16;
	s12 =	simm.s32 @!p2 $0x3F800000;
	s26 =	spop (v2sf)  }
0x7d: {  	s5 =	sadd.f32 s5, s12;
	s12 =	simm.f32 $0.0e+00;
	p3 =	slt.s32 s26, s31  }
0x7e: {  	s16 =	simm.f32 $0.0e+00;
	p5 =	slt.s32 s25, s31;
	s12 =	simm.s32 @!p3 $0x3F800000  }
0x7f: {  	s16 =	simm.s32 @!p5 $0x3F800000;
	s5 =	sadd.f32 s5, s12  }
0x80: {  	s8 =	sadd.f32 s8, s16  }
0x81: {  	s29 =	smax.f32 s5, $1.000000000e+00  }
0x82: {  	s7 =	sadd.f32 s7, s18;
	s6 =	simm.s32 @p6 $0x0;
	s30 =	smax.f32 s8, $1.000000000e+00;
	v57 =	vmov s29  }
0x83: {  	s6 =	sadd.f32 s9, s6;
	s13 =	simm.s32 @p4 $0x0;
	v0 =	vsel vm0, s30, v57  }
0x84: {  	s7 =	sadd.f32 s7, s13;
	s11 =	simm.s32 @p1 $0x0;
	(erf) = vrcp.f32 v0  }
0x85: {  	s6 =	sadd.f32 s6, s11;
	s14 =	simm.s32 @p0 $0x0  }
0x86: {  	s7 =	sadd.f32 s7, s14;
	s10 =	simm.s32 @p2 $0x0  }
0x87: {  	s6 =	sadd.f32 s6, s10;
	s15 =	simm.s32 @p5 $0x0;
	s9 =	spop (v2sf)  }
0x88: {  	s7 =	sadd.f32 s7, s15;
	s9 =	simm.s32 @p3 $0x0  }
0x89: {  	s6 =	sadd.f32 s6, s9;
	_ =	sdelay $0x1  }
0x8a: {  	v59 =	vmov s7;
	v58 =	vmov s6  }
0x8b: {  	v0 =	vcombine.low v59, v58  }
0x8c: {  	v61 =	vmov s5;
	v60 =	vpop (erf)  }
0x8d: {  	v62 =	vsel vm0, s8, v61;
	v0 =	vmul.f32 v0, v60  }
0x8e: {  	vm0 =	vgt.f32 v62, $0.0e+00  }
0x8f: {  	v0 =	vnsel vm0, $0x0, v0  }
0x90: {  	v63 =	vbroadcast v0, $0x0  }
0x91: {  	v0 =	vbroadcast v0, $0x8  }
0x92: {  	[tilespmem:$0x480] =	vst v63  }
0x93: {  	s4 =	sadd.s32 $0x5000, s4;
	s31 =	simm.s32 $0x480;
	[tilespmem:$0x490] =	vst v0  }
0x94: {  	[hbm4b:s4+s2] =	stream.linear.scatter [tilespmem:s31], [sflag:$0x2], $0x20, $0x38;
	[tilespmem:$0x500] =	vst v63  }
0x95: {  	_ =	swait.ge [sflag:s3], $0x20  }
0x96: {  	[sflag:s3] =	ssyncset.done $0x0  }
0x97: {  	[sflag:s3] =	ssyncadd.s32 $0xFFFFFFE0  }
0x98: {  	_ =	sfence.sel $0x180000  }
0x99: {  	[bflag:$0x0] =	sbarrier.arrive $0xFFFF  }
0x9a: {  	p0 =	sne.s32 s1, $0x0;
	_ =	strace $0x90000047  }
0x9b: {  	s0 =	sadd.s32 @!p0 $0x100000, s0;
	[bflag:$0x2] =	sbarrier.arrive $0xFFFF  }
0x9c: {  	[sflag:s0] =	ssyncadd.tile.s32 @!p0 $0x1;
	_ =	shalt  }
.Lfunc_end2:
_tile_overlayer_lowered:
.L_overlay_start_2:
0x9d: {  	(tag) =	ssettag $0x2  }
0x9e: {  	s0 =	rddreg [dreg:$0x0];
	s2 =	stileid.u32  }
0x9f: {  	s1 =	rddreg [dreg:$0x1];
	p0 =	sne.s32 s2, $0x0  }
0xa0: {  	s3 =	rddreg [dreg:$0x2];
	[bflag:$0x3] =	sbarrier.arrive $0xFFFF;
	s2 =	simm.s32 @!p0 $0x1C02  }
0xa1: {  	[timem:s3], [sflag:s2] =	dma.local @!p0 [hbm:s0], s1  }
0xa2: {  	s0 =	simm.s32 @!p0 $0x2  }
0xa3: {  	_ =	swait.ge @!p0 [sflag:s0], s1  }
0xa4: {  	s1 =	ssub.s32 @!p0 $0x0, s1;
	[sflag:s0] =	ssyncset.done @!p0 $0x0  }
0xa5: {  	[sflag:s0] =	ssyncadd.s32 @!p0 s1  }
0xa6: {  	[bflag:$0x3] =	sbarrier.arrive $0xFFFF  }
0xa7: {  	_ =	shalt  }

</sc_bundles>
